<compile_context>
chip_gen: v7x
topology: tpu7x:2x2x1
jax: 0.10.2.dev20260603
libtpu: 0.0.44.dev20260713+nightly
codegen_flags: <defaults>
</compile_context>

<pallas_src>
import math

import jax
import jax.numpy as jnp
from jax import lax
from jax.experimental import pallas as pl
from jax.experimental.pallas import tpu as pltpu
from jax.experimental.pallas import tpu_sc as plsc

N_NODES = 10000
N_EDGES = 160000
MUL = 32
WN = MUL * MUL
PATH_W = 1.0 / math.sqrt(MUL)
EXT = 128
GROUP = 128
NWORKERS = 32
TRIPS = 40
E_PAD = NWORKERS * TRIPS * GROUP
N_PAD = 10240
ROWS_PER_TILE = N_PAD // 16

EDGE_BLK = 2000
NODE_BLK = 1000


def _edge_body(ea_ref, xs_ref, sh_ref, w1_ref, b1_ref, w2_ref, b2_ref, out_ref):
    ea = ea_ref[...]
    h = jnp.maximum(
        jnp.dot(ea, w1_ref[...], preferred_element_type=jnp.float32) + b1_ref[...],
        0.0)
    w = jnp.dot(h.astype(jnp.bfloat16), w2_ref[...],
                preferred_element_type=jnp.float32) + b2_ref[...]
    xs2 = xs_ref[...] * (PATH_W * sh_ref[...])
    x_exp = jnp.concatenate([xs2] * MUL, axis=1)
    jrow = lax.broadcasted_iota(jnp.int32, (WN, MUL), 0)
    wcol = lax.broadcasted_iota(jnp.int32, (WN, MUL), 1)
    smat = (jrow // MUL == wcol).astype(jnp.bfloat16)
    msg = jnp.dot((x_exp * w).astype(jnp.bfloat16), smat,
                  preferred_element_type=jnp.float32)
    ones = jnp.ones((msg.shape[0], EXT - MUL), jnp.float32)
    out_ref[...] = jnp.concatenate([msg, ones], axis=1)


def _edge_stage(edge_attr, x_src, sh, w1, b1, w2, b2):
    nblk = N_EDGES // EDGE_BLK
    return pl.pallas_call(
        _edge_body,
        grid=(nblk,),
        in_specs=[
            pl.BlockSpec((EDGE_BLK, 16), lambda i: (i, 0)),
            pl.BlockSpec((EDGE_BLK, MUL), lambda i: (i, 0)),
            pl.BlockSpec((EDGE_BLK, 1), lambda i: (i, 0)),
            pl.BlockSpec((16, 64), lambda i: (0, 0)),
            pl.BlockSpec((1, 64), lambda i: (0, 0)),
            pl.BlockSpec((64, WN), lambda i: (0, 0)),
            pl.BlockSpec((1, WN), lambda i: (0, 0)),
        ],
        out_specs=pl.BlockSpec((EDGE_BLK, EXT), lambda i: (i, 0)),
        out_shape=jax.ShapeDtypeStruct((E_PAD, EXT), jnp.float32),
    )(edge_attr, x_src, sh, w1, b1.reshape(1, 64),
      w2.reshape(64, MUL, MUL).transpose(0, 2, 1).reshape(64, WN)
      .astype(jnp.bfloat16),
      b2.reshape(MUL, MUL).T.reshape(1, WN))


def _scatter_body(msg_hbm, dst_hbm, zeros_hbm, acc_hbm, idx_v, msg_v, acc_sh):
    c = lax.axis_index("c")
    s = lax.axis_index("s")
    wid = c * 16 + s
    row0 = s * ROWS_PER_TILE
    pltpu.sync_copy(zeros_hbm.at[pl.ds(row0, ROWS_PER_TILE)],
                    acc_sh.at[pl.ds(row0, ROWS_PER_TILE)])
    plsc.subcore_barrier()

    g0 = wid * TRIPS

    def body(i, carry):
        pltpu.sync_copy(dst_hbm.at[wid, i], idx_v)
        pltpu.sync_copy(msg_hbm.at[g0 + i], msg_v)
        pltpu.sync_copy(msg_v, acc_sh.at[idx_v], add=True)
        return carry

    lax.fori_loop(0, TRIPS, body, 0)
    plsc.subcore_barrier()
    pltpu.sync_copy(acc_sh.at[pl.ds(row0, ROWS_PER_TILE)],
                    acc_hbm.at[c, pl.ds(row0, ROWS_PER_TILE)])


def _scatter_stage(msgext, dst_pad):
    mesh = plsc.VectorSubcoreMesh(core_axis_name="c", subcore_axis_name="s")
    zeros = jnp.zeros((N_PAD, EXT), jnp.float32)
    run = pl.kernel(
        _scatter_body,
        out_type=jax.ShapeDtypeStruct((2, N_PAD, EXT), jnp.float32),
        mesh=mesh,
        scratch_types=[
            pltpu.VMEM((GROUP,), jnp.int32),
            pltpu.VMEM((GROUP, EXT), jnp.float32),
            pltpu.VMEM_SHARED((N_PAD, EXT), jnp.float32),
        ],
    )
    return run(msgext.reshape(NWORKERS * TRIPS, GROUP, EXT),
               dst_pad.reshape(NWORKERS, TRIPS, GROUP), zeros)


def _final_body(acc0_ref, acc1_ref, xd_ref, wres_ref, out_ref):
    tot = acc0_ref[...] + acc1_ref[...]
    summed = tot[:, :MUL]
    cnt = tot[:, MUL:MUL + 1]
    agg = summed / jnp.maximum(cnt, 1.0)
    res = jnp.dot(xd_ref[...], wres_ref[...],
                  preferred_element_type=jnp.float32) * (1.0 / math.sqrt(MUL))
    out_ref[...] = jnp.maximum(res + agg, 0.0)


def _final_stage(acc, x_dst, wres):
    nblk = N_NODES // NODE_BLK
    return pl.pallas_call(
        _final_body,
        grid=(nblk,),
        in_specs=[
            pl.BlockSpec((NODE_BLK, EXT), lambda i: (i, 0)),
            pl.BlockSpec((NODE_BLK, EXT), lambda i: (i, 0)),
            pl.BlockSpec((NODE_BLK, MUL), lambda i: (i, 0)),
            pl.BlockSpec((MUL, MUL), lambda i: (0, 0)),
        ],
        out_specs=pl.BlockSpec((NODE_BLK, MUL), lambda i: (i, 0)),
        out_shape=jax.ShapeDtypeStruct((N_NODES, MUL), jnp.float32),
    )(acc[0], acc[1], x_dst, wres)


def _pad_rows(a, n):
    return jnp.pad(a, ((0, n - a.shape[0]),) + ((0, 0),) * (a.ndim - 1))


def kernel(dst, x_src, x_dst, sh, edge_attr, W1, b1, W2, b2, Wres):
    dst_p = jnp.concatenate(
        [dst, jnp.full((E_PAD - N_EDGES,), N_NODES, jnp.int32)])
    msgext = _edge_stage(edge_attr, x_src, sh, W1, b1, W2, b2)
    acc = _scatter_stage(msgext, dst_p)
    return _final_stage(acc, x_dst, Wres)

# --- scband reference (transcript-rebuilt; emitter-appended) ---
"""Pipeline reference for scband-conv-46179488366843 (READ-ONLY COPY).

The authoritative reference and input builder live on the scoring server;
editing this copy changes nothing except your own understanding.
"""

import jax, jax.numpy as jnp
import numpy as np

N_NODES = 10000
N_EDGES = 160000
MUL = 32          # multiplicity of 0e irreps for src/dst/out
SH_MUL = 1        # '1x0e' spherical harmonics
EDGE_DIM = 16
HIDDEN = 64
WEIGHT_NUMEL = MUL * SH_MUL * MUL  # 1024, FullyConnectedTensorProduct path shape (32,1,32)


def setup_inputs(seed: int = 0) -> dict:
    key = jax.random.key(seed)
    ks = jax.random.split(key, 10)
    dst = jax.random.randint(ks[0], (N_EDGES,), 0, N_NODES, dtype=jnp.int64 if jax.config.jax_enable_x64 else jnp.int32).astype(jnp.int32)
    x_src = jax.random.normal(ks[1], (N_EDGES, MUL), dtype=jnp.float32)
    x_dst = jax.random.normal(ks[2], (N_NODES, MUL), dtype=jnp.float32)
    sh = jax.random.normal(ks[3], (N_EDGES, SH_MUL), dtype=jnp.float32)
    edge_attr = jax.random.normal(ks[4], (N_EDGES, EDGE_DIM), dtype=jnp.float32)
    # edge_mlp: Linear(16->64), ReLU, Linear(64->weight_numel)
    W1 = jax.random.normal(ks[5], (EDGE_DIM, HIDDEN), dtype=jnp.float32) / np.sqrt(EDGE_DIM)
    b1 = jnp.zeros((HIDDEN,), dtype=jnp.float32)
    W2 = jax.random.normal(ks[6], (HIDDEN, WEIGHT_NUMEL), dtype=jnp.float32) / np.sqrt(HIDDEN)
    b2 = jnp.zeros((WEIGHT_NUMEL,), dtype=jnp.float32)
    # e3nn o3.Linear('32x0e' -> '32x0e'): raw weights ~ N(0,1), normalized by sqrt(fan_in) at apply
    Wres = jax.random.normal(ks[7], (MUL, MUL), dtype=jnp.float32)
    return {
        'dst': dst, 'x_src': x_src, 'x_dst': x_dst, 'sh': sh, 'edge_attr': edge_attr,
        'W1': W1, 'b1': b1, 'W2': W2, 'b2': b2, 'Wres': Wres,
    }


def reference(dst, x_src, x_dst, sh, edge_attr, W1, b1, W2, b2, Wres):
    # w = self.edge_mlp(edge_attr) : per-edge TP weights
    h = jnp.maximum(edge_attr @ W1 + b1, 0.0)
    w = h @ W2 + b2                                  # [E, weight_numel]
    w = w.reshape(-1, MUL, SH_MUL, MUL)              # path shape (u, v, w)
    # FullyConnectedTensorProduct 32x0e (x) 1x0e -> 32x0e, shared_weights=False
    # single path 0e x 0e -> 0e, path_weight = 1/sqrt(fan_in) = 1/sqrt(mul_in1*mul_in2)
    path_w = 1.0 / np.sqrt(MUL * SH_MUL)
    msg = path_w * jnp.einsum('euvw,eu,ev->ew', w, x_src, sh)  # [E, MUL]
    # scatter(msg, dst, dim=0, dim_size=x_dst.shape[0], reduce='mean')
    summed = jax.ops.segment_sum(msg, dst, num_segments=N_NODES)
    cnt = jax.ops.segment_sum(jnp.ones((N_EDGES,), jnp.float32), dst, num_segments=N_NODES)
    agg = summed / jnp.maximum(cnt, 1.0)[:, None]
    # residual_proj (e3nn Linear with 1/sqrt(fan_in) normalization) + msg
    res = (x_dst @ Wres) / np.sqrt(MUL)
    out = res + agg
    # nl: Activation('32x0e', [ReLU]) since irreps_out has only even scalars -> no Gate branch
    out = jnp.maximum(out, 0.0)
    return out

if __name__ == "__main__":
    import jax
    _d = setup_inputs()
    print(jax.jit(kernel)(*tuple(_d.values())))

</pallas_src>

<mosaic_0001>
#map = affine_map<(d0, d1) -> (0, 0, 0)>
#map1 = affine_map<(d0, d1) -> (0, 0)>
module attributes {stable_mosaic.version = 14 : i64} {
  func.func @_scatter_body(%arg0: i32, %arg1: i32, %arg2: memref<1280x128x128xf32, #tpu.memory_space<hbm>>, %arg3: memref<32x40x128xi32, #tpu.memory_space<hbm>>, %arg4: memref<10240x128xf32, #tpu.memory_space<hbm>>, %arg5: memref<2x10240x128xf32, #tpu.memory_space<hbm>>, %arg6: memref<128xi32, #tpu.memory_space<vmem>>, %arg7: memref<128x128xf32, #tpu.memory_space<vmem>>, %arg8: memref<10240x128xf32, #tpu.memory_space<vmem_shared>>) attributes {dimension_semantics = [#tpu.dimension_semantics<core_parallel>, #tpu.dimension_semantics<subcore_parallel>], iteration_bounds = array<i64: 2, 16>, scalar_prefetch = 0 : i64, scratch_operands = 3 : i64, tpu.core_type = #tpu.core_type<sc_vector_subcore>, window_params = [{transform_indices = #map}, {transform_indices = #map}, {transform_indices = #map1}, {transform_indices = #map}]} {
    %mul3A = arith.constant 16 : i32
    %mul3A_0 = arith.muli %arg0, %mul3A : i32
    %add3A = arith.addi %mul3A_0, %arg1 : i32
    %mul3A_1 = arith.constant 640 : i32
    %mul3A_2 = arith.muli %arg1, %mul3A_1 : i32
    "tpu.region"() ({
      %run_scoped3A = tpu.sem_alloc : memref<!tpu.dma_semaphore, #tpu.memory_space<semaphore_mem>>
      %dma_start3A = arith.constant 0 : i32
      %dma_start3A_11 = tpu.memref_slice %arg8[%mul3A_2, %dma_start3A] : memref<10240x128xf32, #tpu.memory_space<vmem_shared>> -> memref<640x128xf32, #tpu.memory_space<vmem_shared>>
      %dma_start3A_12 = arith.constant 0 : i32
      %dma_start3A_13 = tpu.memref_slice %arg4[%mul3A_2, %dma_start3A_12] : memref<10240x128xf32, #tpu.memory_space<hbm>> -> memref<640x128xf32, #tpu.memory_space<hbm>>
      tpu.enqueue_dma source(%dma_start3A_13 : memref<640x128xf32, #tpu.memory_space<hbm>>) target(%dma_start3A_11 : memref<640x128xf32, #tpu.memory_space<vmem_shared>>) target_semaphore(%run_scoped3A : memref<!tpu.dma_semaphore, #tpu.memory_space<semaphore_mem>>)
      %dma_wait3A = arith.constant 0 : i32
      %dma_wait3A_14 = tpu.memref_slice %arg8[%mul3A_2, %dma_wait3A] : memref<10240x128xf32, #tpu.memory_space<vmem_shared>> -> memref<640x128xf32, #tpu.memory_space<vmem_shared>>
      %dma_wait3A_15 = arith.constant 0 : i32
      %dma_wait3A_16 = tpu.memref_slice %arg4[%mul3A_2, %dma_wait3A_15] : memref<10240x128xf32, #tpu.memory_space<hbm>> -> memref<640x128xf32, #tpu.memory_space<hbm>>
      tpu.wait_dma2 semaphore(%run_scoped3A : memref<!tpu.dma_semaphore, #tpu.memory_space<semaphore_mem>>) src(%dma_wait3A_16 : memref<640x128xf32, #tpu.memory_space<hbm>>) dst(%dma_wait3A_14 : memref<640x128xf32, #tpu.memory_space<vmem_shared>>)
      tpu.yield
    }) : () -> ()
    %barrier3A = arith.constant 0 : index
    tpu.barrier barrier_id(%barrier3A)
    %mul3A_3 = arith.constant 40 : i32
    %mul3A_4 = arith.muli %add3A, %mul3A_3 : i32
    %scan3A = arith.constant 0 : i32
    %scan3A_5 = arith.constant 0 : i32
    %scan3A_6 = arith.constant 40 : i32
    %scan3A_7 = arith.addi %scan3A_5, %scan3A_6 : i32
    %scan3A_8 = arith.constant 1 : i32
    scf.for %scan3A_11 = %scan3A_5 to %scan3A_7 step %scan3A_8  : i32 {
      "tpu.region"() ({
        %run_scoped3A = tpu.sem_alloc : memref<!tpu.dma_semaphore, #tpu.memory_space<semaphore_mem>>
        %dma_start3A = arith.constant 0 : i32
        %dma_start3A_13 = tpu.memref_slice %arg3[%add3A, %scan3A_11, %dma_start3A] : memref<32x40x128xi32, #tpu.memory_space<hbm>> -> memref<1x1x128xi32, #tpu.memory_space<hbm>>
        %dma_start3A_14 = tpu.memref_squeeze %dma_start3A_13 : memref<1x1x128xi32, #tpu.memory_space<hbm>> -> memref<128xi32, #tpu.memory_space<hbm>>
        %dma_start3A_15 = arith.constant 0 : i32
        %dma_start3A_16 = tpu.memref_slice %arg3[%add3A, %scan3A_11, %dma_start3A_15] : memref<32x40x128xi32, #tpu.memory_space<hbm>> -> memref<1x1x128xi32, #tpu.memory_space<hbm>>
        %dma_start3A_17 = tpu.memref_squeeze %dma_start3A_16 : memref<1x1x128xi32, #tpu.memory_space<hbm>> -> memref<128xi32, #tpu.memory_space<hbm>>
        tpu.enqueue_dma source(%dma_start3A_17 : memref<128xi32, #tpu.memory_space<hbm>>) target(%arg6 : memref<128xi32, #tpu.memory_space<vmem>>) target_semaphore(%run_scoped3A : memref<!tpu.dma_semaphore, #tpu.memory_space<semaphore_mem>>)
        %dma_wait3A = arith.constant 0 : i32
        %dma_wait3A_18 = tpu.memref_slice %arg3[%add3A, %scan3A_11, %dma_wait3A] : memref<32x40x128xi32, #tpu.memory_space<hbm>> -> memref<1x1x128xi32, #tpu.memory_space<hbm>>
        %dma_wait3A_19 = tpu.memref_squeeze %dma_wait3A_18 : memref<1x1x128xi32, #tpu.memory_space<hbm>> -> memref<128xi32, #tpu.memory_space<hbm>>
        %dma_wait3A_20 = arith.constant 0 : i32
        %dma_wait3A_21 = tpu.memref_slice %arg3[%add3A, %scan3A_11, %dma_wait3A_20] : memref<32x40x128xi32, #tpu.memory_space<hbm>> -> memref<1x1x128xi32, #tpu.memory_space<hbm>>
        %dma_wait3A_22 = tpu.memref_squeeze %dma_wait3A_21 : memref<1x1x128xi32, #tpu.memory_space<hbm>> -> memref<128xi32, #tpu.memory_space<hbm>>
        tpu.wait_dma2 semaphore(%run_scoped3A : memref<!tpu.dma_semaphore, #tpu.memory_space<semaphore_mem>>) src(%dma_wait3A_22 : memref<128xi32, #tpu.memory_space<hbm>>) dst(%arg6 : memref<128xi32, #tpu.memory_space<vmem>>)
        tpu.yield
      }) : () -> ()
      %add3A_12 = arith.addi %mul3A_4, %scan3A_11 : i32
      "tpu.region"() ({
        %run_scoped3A = tpu.sem_alloc : memref<!tpu.dma_semaphore, #tpu.memory_space<semaphore_mem>>
        %dma_start3A = arith.constant 0 : i32
        %dma_start3A_13 = arith.constant 0 : i32
        %dma_start3A_14 = tpu.memref_slice %arg2[%add3A_12, %dma_start3A, %dma_start3A_13] : memref<1280x128x128xf32, #tpu.memory_space<hbm>> -> memref<1x128x128xf32, #tpu.memory_space<hbm>>
        %dma_start3A_15 = tpu.memref_squeeze %dma_start3A_14 : memref<1x128x128xf32, #tpu.memory_space<hbm>> -> memref<128x128xf32, #tpu.memory_space<hbm>>
        %dma_start3A_16 = arith.constant 0 : i32
        %dma_start3A_17 = arith.constant 0 : i32
        %dma_start3A_18 = tpu.memref_slice %arg2[%add3A_12, %dma_start3A_16, %dma_start3A_17] : memref<1280x128x128xf32, #tpu.memory_space<hbm>> -> memref<1x128x128xf32, #tpu.memory_space<hbm>>
        %dma_start3A_19 = tpu.memref_squeeze %dma_start3A_18 : memref<1x128x128xf32, #tpu.memory_space<hbm>> -> memref<128x128xf32, #tpu.memory_space<hbm>>
        tpu.enqueue_dma source(%dma_start3A_19 : memref<128x128xf32, #tpu.memory_space<hbm>>) target(%arg7 : memref<128x128xf32, #tpu.memory_space<vmem>>) target_semaphore(%run_scoped3A : memref<!tpu.dma_semaphore, #tpu.memory_space<semaphore_mem>>)
        %dma_wait3A = arith.constant 0 : i32
        %dma_wait3A_20 = arith.constant 0 : i32
        %dma_wait3A_21 = tpu.memref_slice %arg2[%add3A_12, %dma_wait3A, %dma_wait3A_20] : memref<1280x128x128xf32, #tpu.memory_space<hbm>> -> memref<1x128x128xf32, #tpu.memory_space<hbm>>
        %dma_wait3A_22 = tpu.memref_squeeze %dma_wait3A_21 : memref<1x128x128xf32, #tpu.memory_space<hbm>> -> memref<128x128xf32, #tpu.memory_space<hbm>>
        %dma_wait3A_23 = arith.constant 0 : i32
        %dma_wait3A_24 = arith.constant 0 : i32
        %dma_wait3A_25 = tpu.memref_slice %arg2[%add3A_12, %dma_wait3A_23, %dma_wait3A_24] : memref<1280x128x128xf32, #tpu.memory_space<hbm>> -> memref<1x128x128xf32, #tpu.memory_space<hbm>>
        %dma_wait3A_26 = tpu.memref_squeeze %dma_wait3A_25 : memref<1x128x128xf32, #tpu.memory_space<hbm>> -> memref<128x128xf32, #tpu.memory_space<hbm>>
        tpu.wait_dma2 semaphore(%run_scoped3A : memref<!tpu.dma_semaphore, #tpu.memory_space<semaphore_mem>>) src(%dma_wait3A_26 : memref<128x128xf32, #tpu.memory_space<hbm>>) dst(%arg7 : memref<128x128xf32, #tpu.memory_space<vmem>>)
        tpu.yield
      }) : () -> ()
      "tpu.region"() ({
        %run_scoped3A = tpu.sem_alloc : memref<!tpu.dma_semaphore, #tpu.memory_space<semaphore_mem>>
        %dma_start3A = arith.constant 0 : i32
        %dma_start3A_13 = arith.constant 0 : i32
        %dma_start3A_14 = tpu.memref_slice %arg8[%dma_start3A, %dma_start3A_13] : memref<10240x128xf32, #tpu.memory_space<vmem_shared>> -> memref<10240x128xf32, #tpu.memory_space<vmem_shared>>
        tpu.enqueue_indirect_dma source(%arg7 : memref<128x128xf32, #tpu.memory_space<vmem>>) target(%dma_start3A_14 : memref<10240x128xf32, #tpu.memory_space<vmem_shared>>) offsets(%arg6 : memref<128xi32, #tpu.memory_space<vmem>>) semaphore(%run_scoped3A : memref<!tpu.dma_semaphore, #tpu.memory_space<semaphore_mem>>) {add = true}
        %dma_wait3A = arith.constant 0 : i32
        %dma_wait3A_15 = arith.constant 0 : i32
        %dma_wait3A_16 = tpu.memref_slice %arg8[%dma_wait3A, %dma_wait3A_15] : memref<10240x128xf32, #tpu.memory_space<vmem_shared>> -> memref<10240x128xf32, #tpu.memory_space<vmem_shared>>
        tpu.wait_indirect_dma semaphore(%run_scoped3A : memref<!tpu.dma_semaphore, #tpu.memory_space<semaphore_mem>>) src(%arg7 : memref<128x128xf32, #tpu.memory_space<vmem>>) dst(%dma_wait3A_16 : memref<10240x128xf32, #tpu.memory_space<vmem_shared>>)
        tpu.yield
      }) : () -> ()
    }
    %scan3A_9 = arith.constant 40 : i32
    %barrier3A_10 = arith.constant 0 : index
    tpu.barrier barrier_id(%barrier3A_10)
    "tpu.region"() ({
      %run_scoped3A = tpu.sem_alloc : memref<!tpu.dma_semaphore, #tpu.memory_space<semaphore_mem>>
      %dma_start3A = arith.constant 0 : i32
      %dma_start3A_11 = tpu.memref_slice %arg5[%arg0, %mul3A_2, %dma_start3A] : memref<2x10240x128xf32, #tpu.memory_space<hbm>> -> memref<1x640x128xf32, #tpu.memory_space<hbm>>
      %dma_start3A_12 = tpu.memref_squeeze %dma_start3A_11 : memref<1x640x128xf32, #tpu.memory_space<hbm>> -> memref<640x128xf32, #tpu.memory_space<hbm>>
      %dma_start3A_13 = arith.constant 0 : i32
      %dma_start3A_14 = tpu.memref_slice %arg8[%mul3A_2, %dma_start3A_13] : memref<10240x128xf32, #tpu.memory_space<vmem_shared>> -> memref<640x128xf32, #tpu.memory_space<vmem_shared>>
      tpu.enqueue_dma source(%dma_start3A_14 : memref<640x128xf32, #tpu.memory_space<vmem_shared>>) target(%dma_start3A_12 : memref<640x128xf32, #tpu.memory_space<hbm>>) target_semaphore(%run_scoped3A : memref<!tpu.dma_semaphore, #tpu.memory_space<semaphore_mem>>)
      %dma_wait3A = arith.constant 0 : i32
      %dma_wait3A_15 = tpu.memref_slice %arg5[%arg0, %mul3A_2, %dma_wait3A] : memref<2x10240x128xf32, #tpu.memory_space<hbm>> -> memref<1x640x128xf32, #tpu.memory_space<hbm>>
      %dma_wait3A_16 = tpu.memref_squeeze %dma_wait3A_15 : memref<1x640x128xf32, #tpu.memory_space<hbm>> -> memref<640x128xf32, #tpu.memory_space<hbm>>
      %dma_wait3A_17 = arith.constant 0 : i32
      %dma_wait3A_18 = tpu.memref_slice %arg8[%mul3A_2, %dma_wait3A_17] : memref<10240x128xf32, #tpu.memory_space<vmem_shared>> -> memref<640x128xf32, #tpu.memory_space<vmem_shared>>
      tpu.wait_dma2 semaphore(%run_scoped3A : memref<!tpu.dma_semaphore, #tpu.memory_space<semaphore_mem>>) src(%dma_wait3A_18 : memref<640x128xf32, #tpu.memory_space<vmem_shared>>) dst(%dma_wait3A_16 : memref<640x128xf32, #tpu.memory_space<hbm>>)
      tpu.yield
    }) : () -> ()
    return
  }
}

module attributes {stable_mosaic.version = 14 : i64} {
  func.func @_edge_body(%arg0: i32, %arg1: memref<2000x16xf32, #tpu.memory_space<vmem>>, %arg2: memref<2000x32xf32, #tpu.memory_space<vmem>>, %arg3: memref<2000x1xf32, #tpu.memory_space<vmem>>, %arg4: memref<16x64xf32, #tpu.memory_space<vmem>>, %arg5: memref<1x64xf32, #tpu.memory_space<vmem>>, %arg6: memref<64x1024xbf16, #tpu.memory_space<vmem>>, %arg7: memref<1x1024xf32, #tpu.memory_space<vmem>>, %arg8: memref<2000x128xf32, #tpu.memory_space<vmem>>) attributes {dimension_semantics = [#tpu.dimension_semantics<arbitrary>], iteration_bounds = array<i64: 80>, scalar_prefetch = 0 : i64, scratch_operands = 0 : i64, tpu.core_type = #tpu.core_type<tc>, window_params = [{transform_indices = @transform_0, window_bounds = array<i64: 2000, 16>}, {transform_indices = @transform_1, window_bounds = array<i64: 2000, 32>}, {transform_indices = @transform_2, window_bounds = array<i64: 2000, 1>}, {pipeline_mode = #tpu.pipeline_mode<synchronous>, transform_indices = @transform_3, window_bounds = array<i64: 16, 64>}, {pipeline_mode = #tpu.pipeline_mode<synchronous>, transform_indices = @transform_4, window_bounds = array<i64: 1, 64>}, {pipeline_mode = #tpu.pipeline_mode<synchronous>, transform_indices = @transform_5, window_bounds = array<i64: 64, 1024>}, {pipeline_mode = #tpu.pipeline_mode<synchronous>, transform_indices = @transform_6, window_bounds = array<i64: 1, 1024>}, {transform_indices = @transform_7, window_bounds = array<i64: 2000, 128>}]} {
    %get3A = arith.constant 0 : index
    %get3A_0 = arith.constant 0 : index
    %get3A_1 = vector.load %arg1[%get3A, %get3A_0] : memref<2000x16xf32, #tpu.memory_space<vmem>>, vector<2000x16xf32>
    %get3A_2 = arith.constant 0 : index
    %get3A_3 = arith.constant 0 : index
    %get3A_4 = vector.load %arg4[%get3A_2, %get3A_3] : memref<16x64xf32, #tpu.memory_space<vmem>>, vector<16x64xf32>
    %dot_general3A = arith.constant dense<0.000000e+00> : vector<2000x64xf32>
    %dot_general3A_5 = tpu.matmul %get3A_1, %get3A_4, %dot_general3A {dimension_numbers = #tpu.dot_dimension_numbers<[1], [0], [0], [1], [0, 0, 1, 1], [], []>, transpose_lhs_hint = false} : vector<2000x16xf32>, vector<16x64xf32>, vector<2000x64xf32> -> vector<2000x64xf32>
    %get3A_6 = arith.constant 0 : index
    %get3A_7 = arith.constant 0 : index
    %get3A_8 = vector.load %arg5[%get3A_6, %get3A_7] : memref<1x64xf32, #tpu.memory_space<vmem>>, vector<1x64xf32>
    %add3A = vector.broadcast %get3A_8 : vector<1x64xf32> to vector<2000x64xf32>
    %add3A_9 = arith.addf %dot_general3A_5, %add3A : vector<2000x64xf32>
    %max3A = arith.constant 0.000000e+00 : f32
    %max3A_10 = vector.broadcast %max3A : f32 to vector<2000x64xf32>
    %max3A_11 = arith.maximumf %add3A_9, %max3A_10 : vector<2000x64xf32>
    %convert_element_type3A = arith.truncf %max3A_11 : vector<2000x64xf32> to vector<2000x64xbf16>
    %get3A_12 = arith.constant 0 : index
    %get3A_13 = arith.constant 0 : index
    %get3A_14 = vector.load %arg6[%get3A_12, %get3A_13] : memref<64x1024xbf16, #tpu.memory_space<vmem>>, vector<64x1024xbf16>
    %dot_general3A_15 = arith.constant dense<0.000000e+00> : vector<2000x1024xf32>
    %dot_general3A_16 = tpu.matmul %convert_element_type3A, %get3A_14, %dot_general3A_15 {dimension_numbers = #tpu.dot_dimension_numbers<[1], [0], [0], [1], [0, 0, 1, 1], [], []>, transpose_lhs_hint = false} : vector<2000x64xbf16>, vector<64x1024xbf16>, vector<2000x1024xf32> -> vector<2000x1024xf32>
    %get3A_17 = arith.constant 0 : index
    %get3A_18 = arith.constant 0 : index
    %get3A_19 = vector.load %arg7[%get3A_17, %get3A_18] : memref<1x1024xf32, #tpu.memory_space<vmem>>, vector<1x1024xf32>
    %add3A_20 = vector.broadcast %get3A_19 : vector<1x1024xf32> to vector<2000x1024xf32>
    %add3A_21 = arith.addf %dot_general3A_16, %add3A_20 : vector<2000x1024xf32>
    %get3A_22 = arith.constant 0 : index
    %get3A_23 = arith.constant 0 : index
    %get3A_24 = vector.load %arg2[%get3A_22, %get3A_23] : memref<2000x32xf32, #tpu.memory_space<vmem>>, vector<2000x32xf32>
    %get3A_25 = arith.constant 0 : index
    %get3A_26 = arith.constant 0 : index
    %get3A_27 = vector.load %arg3[%get3A_25, %get3A_26] : memref<2000x1xf32, #tpu.memory_space<vmem>>, vector<2000x1xf32>
    %mul3A = arith.constant 0.176776692 : f32
    %mul3A_28 = vector.broadcast %mul3A : f32 to vector<2000x1xf32>
    %mul3A_29 = arith.mulf %mul3A_28, %get3A_27 : vector<2000x1xf32>
    %mul3A_30 = vector.broadcast %mul3A_29 : vector<2000x1xf32> to vector<2000x32xf32>
    %mul3A_31 = arith.mulf %get3A_24, %mul3A_30 : vector<2000x32xf32>
    %concatenate3A = tpu.concatenate %mul3A_31, %mul3A_31, %mul3A_31, %mul3A_31, %mul3A_31, %mul3A_31, %mul3A_31, %mul3A_31, %mul3A_31, %mul3A_31, %mul3A_31, %mul3A_31, %mul3A_31, %mul3A_31, %mul3A_31, %mul3A_31, %mul3A_31, %mul3A_31, %mul3A_31, %mul3A_31, %mul3A_31, %mul3A_31, %mul3A_31, %mul3A_31, %mul3A_31, %mul3A_31, %mul3A_31, %mul3A_31, %mul3A_31, %mul3A_31, %mul3A_31, %mul3A_31 in 1 : vector<2000x32xf32>, vector<2000x32xf32>, vector<2000x32xf32>, vector<2000x32xf32>, vector<2000x32xf32>, vector<2000x32xf32>, vector<2000x32xf32>, vector<2000x32xf32>, vector<2000x32xf32>, vector<2000x32xf32>, vector<2000x32xf32>, vector<2000x32xf32>, vector<2000x32xf32>, vector<2000x32xf32>, vector<2000x32xf32>, vector<2000x32xf32>, vector<2000x32xf32>, vector<2000x32xf32>, vector<2000x32xf32>, vector<2000x32xf32>, vector<2000x32xf32>, vector<2000x32xf32>, vector<2000x32xf32>, vector<2000x32xf32>, vector<2000x32xf32>, vector<2000x32xf32>, vector<2000x32xf32>, vector<2000x32xf32>, vector<2000x32xf32>, vector<2000x32xf32>, vector<2000x32xf32>, vector<2000x32xf32> -> vector<2000x1024xf32>
    %iota3A = tpu.iota {dimensions = array<i32: 0>} : vector<1024x32xi32>
    %iota3A_32 = tpu.iota {dimensions = array<i32: 1>} : vector<1024x32xi32>
    %jit3A = arith.constant 32 : i32
    %div3A = vector.broadcast %jit3A : i32 to vector<1024x32xi32>
    %div3A_33 = arith.divsi %iota3A, %div3A : vector<1024x32xi32>
    %sign3A = arith.constant 0 : i32
    %sign3A_34 = vector.broadcast %sign3A : i32 to vector<1024x32xi32>
    %sign3A_35 = arith.cmpi sgt, %iota3A, %sign3A_34 : vector<1024x32xi32>
    %sign3A_36 = arith.extui %sign3A_35 : vector<1024x32xi1> to vector<1024x32xi32>
    %sign3A_37 = arith.constant 0 : i32
    %sign3A_38 = vector.broadcast %sign3A_37 : i32 to vector<1024x32xi32>
    %sign3A_39 = arith.cmpi slt, %iota3A, %sign3A_38 : vector<1024x32xi32>
    %sign3A_40 = arith.extui %sign3A_39 : vector<1024x32xi1> to vector<1024x32xi32>
    %sign3A_41 = arith.subi %sign3A_36, %sign3A_40 : vector<1024x32xi32>
    %sign3A_42 = arith.constant 0 : i32
    %sign3A_43 = arith.cmpi sgt, %jit3A, %sign3A_42 : i32
    %sign3A_44 = arith.extui %sign3A_43 : i1 to i32
    %sign3A_45 = arith.constant 0 : i32
    %sign3A_46 = arith.cmpi slt, %jit3A, %sign3A_45 : i32
    %sign3A_47 = arith.extui %sign3A_46 : i1 to i32
    %sign3A_48 = arith.subi %sign3A_44, %sign3A_47 : i32
    %ne3A = vector.broadcast %sign3A_48 : i32 to vector<1024x32xi32>
    %ne3A_49 = arith.cmpi ne, %sign3A_41, %ne3A : vector<1024x32xi32>
    %rem3A = vector.broadcast %jit3A : i32 to vector<1024x32xi32>
    %rem3A_50 = arith.remsi %iota3A, %rem3A : vector<1024x32xi32>
    %ne3A_51 = arith.constant 0 : i32
    %ne3A_52 = vector.broadcast %ne3A_51 : i32 to vector<1024x32xi32>
    %ne3A_53 = arith.cmpi ne, %rem3A_50, %ne3A_52 : vector<1024x32xi32>
    %and3A = arith.andi %ne3A_49, %ne3A_53 : vector<1024x32xi1>
    %sub3A = arith.constant 1 : i32
    %sub3A_54 = vector.broadcast %sub3A : i32 to vector<1024x32xi32>
    %sub3A_55 = arith.subi %div3A_33, %sub3A_54 : vector<1024x32xi32>
    %select_n3A = arith.select %and3A, %sub3A_55, %div3A_33 : vector<1024x32xi1>, vector<1024x32xi32>
    %eq3A = arith.cmpi eq, %select_n3A, %iota3A_32 : vector<1024x32xi32>
    %convert_element_type3A_56 = arith.extui %eq3A : vector<1024x32xi1> to vector<1024x32xi32>
    %convert_element_type3A_57 = arith.sitofp %convert_element_type3A_56 : vector<1024x32xi32> to vector<1024x32xf32>
    %convert_element_type3A_58 = arith.truncf %convert_element_type3A_57 : vector<1024x32xf32> to vector<1024x32xbf16>
    %mul3A_59 = arith.mulf %concatenate3A, %add3A_21 : vector<2000x1024xf32>
    %convert_element_type3A_60 = arith.truncf %mul3A_59 : vector<2000x1024xf32> to vector<2000x1024xbf16>
    %dot_general3A_61 = arith.constant dense<0.000000e+00> : vector<2000x32xf32>
    %dot_general3A_62 = tpu.matmul %convert_element_type3A_60, %convert_element_type3A_58, %dot_general3A_61 {dimension_numbers = #tpu.dot_dimension_numbers<[1], [0], [0], [1], [0, 0, 1, 1], [], []>, transpose_lhs_hint = false} : vector<2000x1024xbf16>, vector<1024x32xbf16>, vector<2000x32xf32> -> vector<2000x32xf32>
    %broadcast_in_dim3A = arith.constant 1.000000e+00 : f32
    %broadcast_in_dim3A_63 = vector.broadcast %broadcast_in_dim3A : f32 to vector<2000x96xf32>
    %concatenate3A_64 = tpu.concatenate %dot_general3A_62, %broadcast_in_dim3A_63 in 1 : vector<2000x32xf32>, vector<2000x96xf32> -> vector<2000x128xf32>
    %swap3A = arith.constant 0 : index
    %swap3A_65 = arith.constant 0 : index
    %swap3A_66 = vector.load %arg8[%swap3A, %swap3A_65] : memref<2000x128xf32, #tpu.memory_space<vmem>>, vector<2000x128xf32>
    tpu.vector_store %arg8[%swap3A, %swap3A_65], %concatenate3A_64 {strides = array<i32>} : memref<2000x128xf32, #tpu.memory_space<vmem>>, vector<2000x128xf32>,
    return
  }
  func.func @transform_0(%arg0: i32) -> (i32, i32) {
    %c0_i32 = arith.constant 0 : i32
    %c0_i32_0 = arith.constant 0 : i32
    return %arg0, %c0_i32 : i32, i32
  }
  func.func @transform_1(%arg0: i32) -> (i32, i32) {
    %c0_i32 = arith.constant 0 : i32
    %c0_i32_0 = arith.constant 0 : i32
    return %arg0, %c0_i32 : i32, i32
  }
  func.func @transform_2(%arg0: i32) -> (i32, i32) {
    %c0_i32 = arith.constant 0 : i32
    %c0_i32_0 = arith.constant 0 : i32
    return %arg0, %c0_i32 : i32, i32
  }
  func.func @transform_3(%arg0: i32) -> (i32, i32) {
    %c0_i32 = arith.constant 0 : i32
    %c0_i32_0 = arith.constant 0 : i32
    %c0_i32_1 = arith.constant 0 : i32
    return %c0_i32, %c0_i32_0 : i32, i32
  }
  func.func @transform_4(%arg0: i32) -> (i32, i32) {
    %c0_i32 = arith.constant 0 : i32
    %c0_i32_0 = arith.constant 0 : i32
    %c0_i32_1 = arith.constant 0 : i32
    return %c0_i32, %c0_i32_0 : i32, i32
  }
  func.func @transform_5(%arg0: i32) -> (i32, i32) {
    %c0_i32 = arith.constant 0 : i32
    %c0_i32_0 = arith.constant 0 : i32
    %c0_i32_1 = arith.constant 0 : i32
    return %c0_i32, %c0_i32_0 : i32, i32
  }
  func.func @transform_6(%arg0: i32) -> (i32, i32) {
    %c0_i32 = arith.constant 0 : i32
    %c0_i32_0 = arith.constant 0 : i32
    %c0_i32_1 = arith.constant 0 : i32
    return %c0_i32, %c0_i32_0 : i32, i32
  }
  func.func @transform_7(%arg0: i32) -> (i32, i32) {
    %c0_i32 = arith.constant 0 : i32
    %c0_i32_0 = arith.constant 0 : i32
    return %arg0, %c0_i32 : i32, i32
  }
}

module attributes {stable_mosaic.version = 14 : i64} {
  func.func @_final_body(%arg0: i32, %arg1: memref<1000x128xf32, #tpu.memory_space<vmem>>, %arg2: memref<1000x128xf32, #tpu.memory_space<vmem>>, %arg3: memref<1000x32xf32, #tpu.memory_space<vmem>>, %arg4: memref<32x32xf32, #tpu.memory_space<vmem>>, %arg5: memref<1000x32xf32, #tpu.memory_space<vmem>>) attributes {dimension_semantics = [#tpu.dimension_semantics<arbitrary>], iteration_bounds = array<i64: 10>, scalar_prefetch = 0 : i64, scratch_operands = 0 : i64, tpu.core_type = #tpu.core_type<tc>, window_params = [{transform_indices = @transform_0, window_bounds = array<i64: 1000, 128>}, {transform_indices = @transform_1, window_bounds = array<i64: 1000, 128>}, {transform_indices = @transform_2, window_bounds = array<i64: 1000, 32>}, {pipeline_mode = #tpu.pipeline_mode<synchronous>, transform_indices = @transform_3, window_bounds = array<i64: 32, 32>}, {transform_indices = @transform_4, window_bounds = array<i64: 1000, 32>}]} {
    %get3A = arith.constant 0 : index
    %get3A_0 = arith.constant 0 : index
    %get3A_1 = vector.load %arg1[%get3A, %get3A_0] : memref<1000x128xf32, #tpu.memory_space<vmem>>, vector<1000x128xf32>
    %get3A_2 = arith.constant 0 : index
    %get3A_3 = arith.constant 0 : index
    %get3A_4 = vector.load %arg2[%get3A_2, %get3A_3] : memref<1000x128xf32, #tpu.memory_space<vmem>>, vector<1000x128xf32>
    %add3A = arith.addf %get3A_1, %get3A_4 : vector<1000x128xf32>
    %slice3A = vector.extract_strided_slice %add3A {offsets = [0, 0], sizes = [1000, 32], strides = [1, 1]} : vector<1000x128xf32> to vector<1000x32xf32>
    %slice3A_5 = vector.extract_strided_slice %add3A {offsets = [0, 32], sizes = [1000, 1], strides = [1, 1]} : vector<1000x128xf32> to vector<1000x1xf32>
    %max3A = arith.constant 1.000000e+00 : f32
    %max3A_6 = vector.broadcast %max3A : f32 to vector<1000x1xf32>
    %max3A_7 = arith.maximumf %slice3A_5, %max3A_6 : vector<1000x1xf32>
    %div3A = vector.broadcast %max3A_7 : vector<1000x1xf32> to vector<1000x32xf32>
    %div3A_8 = arith.divf %slice3A, %div3A : vector<1000x32xf32>
    %get3A_9 = arith.constant 0 : index
    %get3A_10 = arith.constant 0 : index
    %get3A_11 = vector.load %arg3[%get3A_9, %get3A_10] : memref<1000x32xf32, #tpu.memory_space<vmem>>, vector<1000x32xf32>
    %get3A_12 = arith.constant 0 : index
    %get3A_13 = arith.constant 0 : index
    %get3A_14 = vector.load %arg4[%get3A_12, %get3A_13] : memref<32x32xf32, #tpu.memory_space<vmem>>, vector<32x32xf32>
    %dot_general3A = arith.constant dense<0.000000e+00> : vector<1000x32xf32>
    %dot_general3A_15 = tpu.matmul %get3A_11, %get3A_14, %dot_general3A {dimension_numbers = #tpu.dot_dimension_numbers<[1], [0], [0], [1], [0, 0, 1, 1], [], []>, transpose_lhs_hint = false} : vector<1000x32xf32>, vector<32x32xf32>, vector<1000x32xf32> -> vector<1000x32xf32>
    %mul3A = arith.constant 0.176776692 : f32
    %mul3A_16 = vector.broadcast %mul3A : f32 to vector<1000x32xf32>
    %mul3A_17 = arith.mulf %dot_general3A_15, %mul3A_16 : vector<1000x32xf32>
    %add3A_18 = arith.addf %mul3A_17, %div3A_8 : vector<1000x32xf32>
    %max3A_19 = arith.constant 0.000000e+00 : f32
    %max3A_20 = vector.broadcast %max3A_19 : f32 to vector<1000x32xf32>
    %max3A_21 = arith.maximumf %add3A_18, %max3A_20 : vector<1000x32xf32>
    %swap3A = arith.constant 0 : index
    %swap3A_22 = arith.constant 0 : index
    %swap3A_23 = vector.load %arg5[%swap3A, %swap3A_22] : memref<1000x32xf32, #tpu.memory_space<vmem>>, vector<1000x32xf32>
    tpu.vector_store %arg5[%swap3A, %swap3A_22], %max3A_21 {strides = array<i32>} : memref<1000x32xf32, #tpu.memory_space<vmem>>, vector<1000x32xf32>,
    return
  }
  func.func @transform_0(%arg0: i32) -> (i32, i32) {
    %c0_i32 = arith.constant 0 : i32
    %c0_i32_0 = arith.constant 0 : i32
    return %arg0, %c0_i32 : i32, i32
  }
  func.func @transform_1(%arg0: i32) -> (i32, i32) {
    %c0_i32 = arith.constant 0 : i32
    %c0_i32_0 = arith.constant 0 : i32
    return %arg0, %c0_i32 : i32, i32
  }
  func.func @transform_2(%arg0: i32) -> (i32, i32) {
    %c0_i32 = arith.constant 0 : i32
    %c0_i32_0 = arith.constant 0 : i32
    return %arg0, %c0_i32 : i32, i32
  }
  func.func @transform_3(%arg0: i32) -> (i32, i32) {
    %c0_i32 = arith.constant 0 : i32
    %c0_i32_0 = arith.constant 0 : i32
    %c0_i32_1 = arith.constant 0 : i32
    return %c0_i32, %c0_i32_0 : i32, i32
  }
  func.func @transform_4(%arg0: i32) -> (i32, i32) {
    %c0_i32 = arith.constant 0 : i32
    %c0_i32_0 = arith.constant 0 : i32
    return %arg0, %c0_i32 : i32, i32
  }
}

</mosaic_0001>

<sc_bundles>
// kernel: kernel.5.cloned.1.call-start
scs
__scs_entry_jumppad:
0x0: {  	(pc) =	sbr.rel $0x88, $3  }
0x1: {  	(tag) =	ssettag $0x0;
	lr =	simm.s32 $0x1  }
0x2: {  	[smem:$0x3F97] =	sst lr;
	_ =	strace $0xD0000000  }
0x3: {  	_ = 	snop  }
0x4: {  	_ = 	snop  }
0x5: {  	_ = 	snop  }
0x6: {  	_ = 	snop  }
0x7: {  	_ = 	snop  }
__scs_overlays_trampoline_lowered:
0x8: {  	[smem:$0x3FA6] =	sst s0  }
0x9: {  	[smem:$0x3FA7] =	sst s1  }
0xa: {  	[smem:$0x3FA8] =	sst s2  }
0xb: {  	[smem:$0x3FA9] =	sst s3  }
0xc: {  	[smem:$0x3FAA] =	sst s4  }
0xd: {  	[smem:$0x3FAB] =	sst s5  }
0xe: {  	[smem:$0x3FAC] =	sst s6  }
0xf: {  	[smem:$0x3FAD] =	sst s7  }
0x10: {  	[smem:$0x3FAE] =	sst s8  }
0x11: {  	[smem:$0x3FAF] =	sst s9;
	s0 =	simm.s32 @!p0 $0x0  }
0x12: {  	s1 =	sld [smem:$0x3F95];
	s0 =	simm.s32 @p0 $0x1  }
0x13: {  	[smem:$0x3FB0] =	sst s0;
	s0 =	simm.s32 @!p1 $0x0  }
0x14: {  	s2 =	sld [smem:$0x3F94];
	s0 =	simm.s32 @p1 $0x1  }
0x15: {  	[smem:$0x3FB1] =	sst s0;
	s0 =	simm.s32 @!p2 $0x0  }
0x16: {  	s3 =	sld [smem:$0x3FDB];
	s0 =	simm.s32 @p2 $0x1  }
0x17: {  	s4 =	simm.s32 $0x1BF5;
	[smem:$0x3FB3] =	sst s0  }
0x18: {  	s0 =	sld [smem:$0x3F96];
	_ =	swait.ge [sflag:s4], $0x0  }
0x19: {  	s7 =	sld [smem:$0x3F97]  }
0x1a: {  	s8 =	sadd.s32 $0xFFFFE003, lr  }
0x1b: {  	s9 =	sadd.s32 $0xFFFFFEF7, lr;
	s5 =	simm.s32 $0xFFFFFFFF;
	p2 =	slt.u32 s8, $0xFFFFF086  }
0x1c: {  	p1 =	slt.u32 s9, $0xF7A;
	s5 =	simm.s32 @!p2 $0x0  }
0x1d: {  	s5 =	simm.s32 @p1 $0x1;
	p0 =	seq.s32 s7, s2  }
0x1e: {  	s7 =	smul.u32 @!p0 $0xF7A, s2;
	p2 =	seq.s32 @!p0 s5, $0x0  }
0x1f: {  	s9 =	smul.u32 $0xF7A, s1;
	s8 =	simm.s32 @!p0 $0x1BF5;
	p2 =	por !p2, p0  }
0x20: {  	[sflag:s8] =	ssyncset.s32 @!p0 $0xFFFFF086;
	s6 =	sadd.s32 @!p0 s3, s7;
	s7 =	simm.s32 @!p0 $0x108  }
0x21: {  	s3 =	sadd.s32 s3, s9;
	s6 =	sadd.s32 @!p0 $0x88, s6;
	s7 =	simm.s32 @p2 $0x1082  }
0x22: {  	[simem:s7], [sflag:s8] =	dma.local @!p0 [hbm:s6], $0xF7A  }
0x23: {  	s9 =	sor.u32 $0xD0000000, s2;
	s6 =	simm.s32 $0x108;
	_ =	swait.ge @!p0 [sflag:s8], $0x0  }
0x24: {  	s3 =	sadd.s32 $0x88, s3;
	s6 =	simm.s32 @!p1 $0x1082;
	[sflag:s4] =	ssyncset.s32 $0xFFFFF086  }
0x25: {  	[simem:s6], [sflag:s4] =	dma.local [hbm:s3], $0xF7A  }
0x26: {  	[smem:$0x3F97] =	sst s1;
	(tag) =	ssettag s2;
	_ =	strace s9  }
0x27: {  	s1 =	sld [smem:$0x3FA7]  }
0x28: {  	s2 =	sld [smem:$0x3FA8]  }
0x29: {  	s4 =	sld [smem:$0x3FAA]  }
0x2a: {  	p0 =	seq.s32 s5, $0x0;
	s5 =	sld [smem:$0x3FAB]  }
0x2b: {  	s6 =	sld [smem:$0x3FAC]  }
0x2c: {  	s7 =	sld [smem:$0x3FAD]  }
0x2d: {  	s3 =	simm.s32 $0x108;
	s8 =	sld [smem:$0x3FAE]  }
0x2e: {  	s3 =	simm.s32 @!p0 $0x1082;
	s9 =	sld [smem:$0x3FAF]  }
0x2f: {  	lr =	sadd.s32 s0, s3;
	s0 =	sld [smem:$0x3FA6]  }
0x30: {  	s3 =	sld [smem:$0x3FA9]  }
0x31: {  	[smem:$0x3FB2] =	sst s10  }
0x32: {  	s10 =	sld [smem:$0x3FB0];
	_ =	sdelay $0x3  }
0x33: {  	p0 =	seq.s32 s10, $0x1;
	s10 =	sld [smem:$0x3FB2];
	_ =	sdelay $0x3  }
0x34: {  	[smem:$0x3FB2] =	sst s10  }
0x35: {  	s10 =	sld [smem:$0x3FB1];
	_ =	sdelay $0x3  }
0x36: {  	p1 =	seq.s32 s10, $0x1;
	s10 =	sld [smem:$0x3FB2];
	_ =	sdelay $0x3  }
0x37: {  	[smem:$0x3FB2] =	sst s10  }
0x38: {  	s10 =	sld [smem:$0x3FB3]  }
0x39: {  	_ = 	snop;
	(pc) =	sbr.ind lr, $3  }
0x3a: {  	_ = 	snop  }
0x3b: {  	_ = 	snop  }
0x3c: {  	p2 =	seq.s32 s10, $0x1;
	s10 =	sld [smem:$0x3FB2]  }
0x3d: {  	_ =	shalt  }
0x3e: {  	_ =	shalt  }
0x3f: {  	_ =	shalt  }
0x40: {  	_ =	shalt  }
0x41: {  	_ =	shalt  }
0x42: {  	_ =	shalt  }
0x43: {  	_ =	shalt  }
0x44: {  	_ =	shalt  }
0x45: {  	_ =	shalt  }
0x46: {  	_ =	shalt  }
0x47: {  	_ =	shalt  }
0x48: {  	_ =	shalt  }
0x49: {  	_ =	shalt  }
0x4a: {  	_ =	shalt  }
0x4b: {  	_ =	shalt  }
0x4c: {  	_ =	shalt  }
0x4d: {  	_ =	shalt  }
0x4e: {  	_ =	shalt  }
0x4f: {  	_ =	shalt  }
0x50: {  	_ =	shalt  }
0x51: {  	_ =	shalt  }
0x52: {  	_ =	shalt  }
0x53: {  	_ =	shalt  }
0x54: {  	_ =	shalt  }
0x55: {  	_ =	shalt  }
0x56: {  	_ =	shalt  }
0x57: {  	_ =	shalt  }
0x58: {  	_ =	shalt  }
0x59: {  	_ =	shalt  }
0x5a: {  	_ =	shalt  }
0x5b: {  	_ =	shalt  }
0x5c: {  	_ =	shalt  }
0x5d: {  	_ =	shalt  }
0x5e: {  	_ =	shalt  }
0x5f: {  	_ =	shalt  }
0x60: {  	_ =	shalt  }
0x61: {  	_ =	shalt  }
0x62: {  	_ =	shalt  }
0x63: {  	_ =	shalt  }
0x64: {  	_ =	shalt  }
0x65: {  	_ =	shalt  }
0x66: {  	_ =	shalt  }
0x67: {  	_ =	shalt  }
0x68: {  	_ =	shalt  }
0x69: {  	_ =	shalt  }
0x6a: {  	_ =	shalt  }
0x6b: {  	_ =	shalt  }
0x6c: {  	_ =	shalt  }
0x6d: {  	_ =	shalt  }
0x6e: {  	_ =	shalt  }
0x6f: {  	_ =	shalt  }
0x70: {  	_ =	shalt  }
0x71: {  	_ =	shalt  }
0x72: {  	_ =	shalt  }
0x73: {  	_ =	shalt  }
0x74: {  	_ =	shalt  }
0x75: {  	_ =	shalt  }
0x76: {  	_ =	shalt  }
0x77: {  	_ =	shalt  }
0x78: {  	_ =	shalt  }
0x79: {  	_ =	shalt  }
0x7a: {  	_ =	shalt  }
0x7b: {  	_ =	shalt  }
0x7c: {  	_ =	shalt  }
0x7d: {  	_ =	shalt  }
0x7e: {  	_ =	shalt  }
0x7f: {  	_ =	shalt  }
0x80: {  	_ =	shalt  }
0x81: {  	_ =	shalt  }
0x82: {  	_ =	shalt  }
0x83: {  	_ =	shalt  }
0x84: {  	_ =	shalt  }
0x85: {  	_ =	shalt  }
0x86: {  	_ =	shalt  }
0x87: {  	_ =	shalt  }
.Lfunc_end0:
.L_simem_size_0:
called_computation_lowered:
.L_overlay_start_0:
0x88: {  	s2 =	sld [smem:$0x3FD9]  }
0x89: {  	s3 =	sld [smem:$0x3FFE];
	_ =	sdelay $0x1  }
0x8a: {  	s1 =	srdreg.scid  }
0x8b: {  	s0 =	sand.u32 $0x1, s1  }
0x8c: {  	s17 =	sshll.u32 s0, $0xA;
	s2 =	sadd.s32 s3, s2  }
0x8d: {  	s2 =	sadd.s32 s2, s17  }
0x8e: {  	[smem:$0x3FBE] =	sst s2  }
0x8f: {  	_ = 	snop  }
0x90: {  	s2 =	sld [smem:$0x3FD0];
	(tm) =	ssettm $0x1  }
0x91: {  	s18 =	sld [smem:$0x3FFB];
	_ =	sdelay $0x3  }
0x92: {  	_ =	strace s18  }
0x93: {  	s3 =	sld [smem:$0x3FFC];
	_ =	sdelay $0x3  }
0x94: {  	_ =	strace s3  }
0x95: {  	s3 =	sld [smem:$0x3FFD];
	_ =	sdelay $0x3  }
0x96: {  	_ =	strace s3  }
0x97: {  	_ =	strace $0x8FFFFFFF  }
0x98: {  	s19 =	sld [smem:$0x3FDB];
	_ =	sdelay $0x1  }
0x99: {  	s4 =	simm.s32 $_scs_section_size  }
0x9a: {  	s5 =	simm.s32 $_size__tile_overlayer_lowered;
	s6 =	simm.s32 $_tile_overlayer_lowered  }
0x9b: {  	s22 =	simm.s32 $0x1BFF;
	s21 =	sshll.u32 s6, $0x1;
	s3 =	sadd.s32 s4, s19  }
0x9c: {  	s7 =	simm.s32 $0x0;
	s20 =	sshll.u32 s5, $0x1;
	s5 =	sadd.s32 s21, s3  }
0x9d: {  	[timem:s7], [sflag:s22] =	dma.local [hbm:s5], s20  }
0x9e: {  	_ =	swait.ge [sflag:s22], s20  }
0x9f: {  	s4 =	ssub.s32 $0x0, s20;
	[sflag:s22] =	ssyncset.done $0x0  }
0xa0: {  	[sflag:s22] =	ssyncadd.s32 s4;
	_ =	sdelay $0x1  }
0xa1: {  	s23 =	simm.s32 $0x1B8B  }
0xa2: {  	_ =	swait.ge [sflag:s23], $0x1  }
0xa3: {  	[sflag:s23] =	ssyncset.done $0x0  }
0xa4: {  	s25 =	simm.s32 $0x1B8E;
	s24 =	sld [smem:$0x3FFE];
	[sflag:s23] =	ssyncadd.s32 $0xFFFFFFFF  }
0xa5: {  	s26 =	simm.s32 $execute0_lowered;
	[smem:$0x3FD2] =	sst s25  }
0xa6: {  	s5 =	sshll.u32 s26, $0x1;
	_ =	strace $0x80000046;
	[dreg:$0x1] =	wrdreg $0xFFFFFFFF  }
0xa7: {  	s28 =	simm.s32 $_size_execute0_lowered;
	s3 =	sadd.s32 s3, s5;
	[dreg:$0x0] =	wrdreg $0x0  }
0xa8: {  	s5 =	sshll.u32 s28, $0x1;
	[dreg:$0x2] =	wrdreg s3  }
0xa9: {  	[dreg:$0x3] =	wrdreg s5  }
0xaa: {  	[dreg:$0x4] =	wrdreg $0xC0  }
0xab: {  	_ =	task [dreg:s7], $0x5FFFF  }
0xac: {  	[dreg:$0x1] =	wrdreg $0xFFFFFFFF  }
0xad: {  	[dreg:$0x0] =	wrdreg $0x60  }
0xae: {  	[dreg:$0x2] =	wrdreg s24  }
0xaf: {  	[dreg:$0x3] =	wrdreg s2  }
0xb0: {  	[dreg:$0x4] =	wrdreg $0x40800  }
0xb1: {  	[dreg:$0x5] =	wrdreg $0x9  }
0xb2: {  	_ =	task.clear_ibuf [dreg:s7], $0x6FFFF;
	_ =	strace $0x90000046  }
0xb3: {  	s29 =	simm.s32 $0x9;
	_ =	strace $0x80000048  }
0xb4: {  	_ =	swait.ge [sflag:s29], $0x1  }
0xb5: {  	[sflag:s29] =	ssyncadd.s32 $0xFFFFFFFF  }
0xb6: {  	_ =	strace $0x90000048  }
0xb7: {  	_ =	sfence  }
0xb8: {  	s30 =	sld [smem:$0x0];
	_ =	sdelay $0x2  }
0xb9: {  	s31 =	sshll.u32 s1, $0xD;
	s1 =	sshrl.u32 s1, $0x2  }
0xba: {  	s3 =	sand.u32 $0x4000, s31;
	s1 =	sadd.s32 s1, s30  }
0xbb: {  	s0 =	sor.u32 s3, s0;
	s1 =	sshll.u32 s1, $0x11  }
0xbc: {  	s0 =	sor.u32 s1, s0  }
0xbd: {  	s0 =	sadd.s32 $0x8F2B, s0  }
0xbe: {  	[sflag:s0] =	ssyncadd.remote.s32 $0x1  }
0xbf: {  	_ =	sfence.sel $0xFFFF  }
0xc0: {  	[dreg:$0x0] =	wrdreg $0xFFFFFFFF;
	(pc) =	sbr.abs _section_cstart, $3  }
0xc1: {  	[dreg:$0x1] =	wrdreg $0xFFFFFFFF  }
0xc2: {  	_ =	task.clear_ibuf [dreg:s7], $0x2FFFF;
	_ =	strace $0x9FFFFFFF  }
0xc3: {  	(tm) =	ssettm $0x7FFFFFFF  }
tec
execute0_lowered:
.L_overlay_start_1:
0x0: {  	(tag) =	ssettag $0x1  }
0x1: {  	s5 =	rddreg [dreg:$0x0];
	s1 =	srdreg.scid  }
0x2: {  	s0 =	stileid.u32;
	s2 =	rddreg [dreg:$0x1]  }
0x3: {  	s3 =	rddreg [dreg:$0x2];
	s4 =	simm.s32 $0x0;
	s13 =	simm.s32 $0x80  }
0x4: {  	s6 =	sand.u32 $0x1, s1;
	s7 =	smul.u32 $0x14000, s0;
	s1 =	rddreg [dreg:$0x3]  }
0x5: {  	s14 =	simm.s32 $0x0;
	[smem:$0x7FF] =	sst s4;
	s11 =	smul.u32 $0x50000, s0  }
0x6: {  	s31 =	sshll.u32 s0, $0x6;
	s8 =	smul.u32 $0x140000, s6;
	s9 =	ssub.s32 $0x2, s6  }
0x7: {  	_ =	strace $0x80000047;
	s6 =	sshll.u32 s6, $0x4;
	s29 =	sshrl.u32 s9, $0x1  }
0x8: {  	s12 =	sor.u32 s0, s6;
	s30 =	sshrl.u32 s11, $0x2;
	s6 =	sor.u32 $0x1C01, s31  }
0x9: {  	s8 =	sadd.s32 s7, s8;
	s7 =	sshrl.u32 s7, $0x3;
	s9 =	ssub.s32 s9, s29  }
0xa: {  	s11 =	sadd.s32 s30, s3;
	s10 =	sadd.s32 s8, s5;
	s7 =	sadd.s32 s7, s5  }
0xb: {  	s8 =	sshrl.u32 s8, $0x3;
	s9 =	smax.u32 s9, $0x1;
	s11 =	sshrl.u32 s11, $0x3  }
0xc: {  	s8 =	sadd.s32 s8, s5;
	s5 =	sadd.s32 $0x2200, s7;
	s7 =	smul.u32 $0x1400, s12  }
0xd: {  	s10 =	sadd.s32 $0x755200, s10;
	s12 =	simm.s32 $0x1;
	s8 =	sadd.s32 $0x2A200, s8  }
.LBB2_1:
0xe: {  	[spmem:s11], [sflag:s6] =	dma.local [hbm:s5], $0x2800  }
0xf: {  	s15 =	sand.u32 $0x1C00, s4  }
0x10: {  	s16 =	sand.u32 $0x380, s4;
	_ =	swait.ge [sflag:s12], $0x2800;
	s15 =	sadd.s32 s7, s15  }
0x11: {  	[sflag:s12] =	ssyncset.done $0x0;
	s15 =	sor.u32 s16, s15  }
0x12: {  	[sflag:s12] =	ssyncadd.s32 $0xFFFFD800;
	s15 =	sshrl.u32 s15, $0x3  }
0x13: {  	[bflag:$0x0] =	sbarrier.arrive $0xFFFF;
	s15 =	sadd.s32 s2, s15  }
0x14: {  	[tilespmem:s4], [sflag:$0x1] =	stream.linear.gather [hbm4b:s15+s4], $0x80, $0x38;
	[tilespmem:$0x18080] =	vst v63  }
0x15: {  	_ =	swait.ge [sflag:s12], $0x80  }
0x16: {  	[sflag:s12] =	ssyncset.done $0x0  }
0x17: {  	[sflag:s12] =	ssyncadd.s32 $0xFFFFFF80  }
0x18: {  	[tilespmem:s13], [sflag:$0x1] =	stream.linear.gather [hbm4b:s10+s4], $0x4000, $0x38;
	[tilespmem:$0x18080] =	vst v63  }
0x19: {  	_ =	swait.ge [sflag:s12], $0x4000  }
0x1a: {  	s31 =	simm.s32 $0x80;
	[sflag:s12] =	ssyncset.done $0x0  }
0x1b: {  	s17 =	sand.u32 $0x1C00, s31;
	s16 =	simm.s32 $0x100;
	[sflag:s12] =	ssyncadd.s32 $0xFFFFC000  }
0x1c: {  	[spmem:s3] =	stream.indirect.scatter.add.f32 [tilespmem:s13], [sflag:$0x1], $0x80, s4, s13, $0xb8;
	[tilespmem:$0x18080] =	vst v63  }
0x1d: {  	s17 =	sadd.s32 s7, s17;
	s15 =	sand.u32 $0x380, s31;
	_ =	swait.ge [sflag:s12], $0x4000  }
0x1e: {  	s17 =	sor.u32 s15, s17;
	s15 =	sadd.s32 $0x800, s10;
	[sflag:s12] =	ssyncset.done $0x0  }
.LBB2_2:
0x1f: {  	s17 =	sshrl.u32 s17, $0x3  }
0x20: {  	[sflag:s12] =	ssyncadd.s32 $0xFFFFC000;
	s18 =	smov.u32 s16;
	s19 =	sadd.s32 $0x80, s16  }
0x21: {  	p0 =	sne.s32 s16, $0x1380;
	s16 =	sadd.s32 s2, s17  }
0x22: {  	[tilespmem:s4], [sflag:$0x1] =	stream.linear.gather [hbm4b:s16+s4], $0x80, $0x38;
	[tilespmem:$0x18080] =	vst v63  }
0x23: {  	_ =	swait.ge [sflag:s12], $0x80  }
0x24: {  	[sflag:s12] =	ssyncset.done $0x0  }
0x25: {  	[sflag:s12] =	ssyncadd.s32 $0xFFFFFF80  }
0x26: {  	[tilespmem:s13], [sflag:$0x1] =	stream.linear.gather [hbm4b:s15+s4], $0x4000, $0x38;
	[tilespmem:$0x18080] =	vst v63  }
0x27: {  	_ =	swait.ge [sflag:s12], $0x4000  }
.Ltmp0:
0x28: {  	s16 =	sand.u32 $0x1C00, s18;
	[sflag:s12] =	ssyncset.done $0x0;
	(pc) =	sbr.rel @p0 .LBB2_2-.Ltmp0, $4  }
0x29: {  	s17 =	sand.u32 $0x380, s18;
	s16 =	sadd.s32 s7, s16;
	[sflag:s12] =	ssyncadd.s32 $0xFFFFC000  }
0x2a: {  	[spmem:s3] =	stream.indirect.scatter.add.f32 [tilespmem:s13], [sflag:$0x1], $0x80, s4, s13, $0xb8;
	[tilespmem:$0x18080] =	vst v63  }
0x2b: {  	s17 =	sor.u32 s17, s16;
	_ =	swait.ge [sflag:s12], $0x4000  }
0x2c: {  	s16 =	smov.u32 s19;
	s15 =	sadd.s32 $0x800, s15;
	[sflag:s12] =	ssyncset.done $0x0  }
0x2d: {  	s16 =	sshrl.u32 s17, $0x3  }
0x2e: {  	[sflag:s12] =	ssyncadd.s32 $0xFFFFC000;
	s16 =	sadd.s32 s2, s16  }
0x2f: {  	[tilespmem:s4], [sflag:$0x1] =	stream.linear.gather [hbm4b:s16+s4], $0x80, $0x38;
	[tilespmem:$0x18080] =	vst v63  }
0x30: {  	_ =	swait.ge [sflag:s12], $0x80  }
0x31: {  	[sflag:s12] =	ssyncset.done $0x0  }
0x32: {  	[sflag:s12] =	ssyncadd.s32 $0xFFFFFF80  }
0x33: {  	[tilespmem:s13], [sflag:$0x1] =	stream.linear.gather [hbm4b:s15+s4], $0x4000, $0x38;
	[tilespmem:$0x18080] =	vst v63  }
0x34: {  	_ =	swait.ge [sflag:s12], $0x4000  }
0x35: {  	[sflag:s12] =	ssyncset.done $0x0  }
0x36: {  	[sflag:s12] =	ssyncadd.s32 $0xFFFFC000  }
0x37: {  	[spmem:s3] =	stream.indirect.scatter.add.f32 [tilespmem:s13], [sflag:$0x1], $0x80, s4, s13, $0xb8;
	[tilespmem:$0x18080] =	vst v63  }
0x38: {  	_ =	swait.ge [sflag:s12], $0x4000  }
0x39: {  	s14 =	sadd.s32 $0x1, s14;
	[sflag:s12] =	ssyncset.done $0x0  }
0x3a: {  	p0 =	sne.s32 s14, s9;
	[sflag:s12] =	ssyncadd.s32 $0xFFFFC000  }
.Ltmp1:
0x3b: {  	[bflag:$0x0] =	sbarrier.arrive $0xFFFF;
	(pc) =	sbr.rel @p0 .LBB2_1-.Ltmp1, $4  }
0x3c: {  	[hbm:s8], [sflag:s6] =	dma.local [spmem:s11], $0x2800  }
0x3d: {  	_ =	swait.ge [sflag:s12], $0x2800  }
0x3e: {  	[sflag:s12] =	ssyncset.done $0x0  }
0x3f: {  	[sflag:s12] =	ssyncadd.s32 $0xFFFFD800  }
0x40: {  	_ =	sfence.sel $0x180000  }
0x41: {  	[bflag:$0x0] =	sbarrier.arrive $0xFFFF  }
0x42: {  	p0 =	sne.s32 s0, $0x0;
	_ =	strace $0x90000047  }
0x43: {  	s0 =	sadd.s32 @!p0 $0x100000, s1;
	[bflag:$0x2] =	sbarrier.arrive $0xFFFF  }
0x44: {  	[sflag:s0] =	ssyncadd.tile.s32 @!p0 $0x1;
	_ =	shalt  }
.Lfunc_end2:
_tile_overlayer_lowered:
.L_overlay_start_2:
0x45: {  	(tag) =	ssettag $0x2  }
0x46: {  	s0 =	rddreg [dreg:$0x0];
	s2 =	stileid.u32  }
0x47: {  	s1 =	rddreg [dreg:$0x1];
	p0 =	sne.s32 s2, $0x0  }
0x48: {  	s3 =	rddreg [dreg:$0x2];
	[bflag:$0x3] =	sbarrier.arrive $0xFFFF;
	s2 =	simm.s32 @!p0 $0x1C01  }
0x49: {  	[timem:s3], [sflag:s2] =	dma.local @!p0 [hbm:s0], s1  }
0x4a: {  	s0 =	simm.s32 @!p0 $0x1  }
0x4b: {  	_ =	swait.ge @!p0 [sflag:s0], s1  }
0x4c: {  	s1 =	ssub.s32 @!p0 $0x0, s1;
	[sflag:s0] =	ssyncset.done @!p0 $0x0  }
0x4d: {  	[sflag:s0] =	ssyncadd.s32 @!p0 s1  }
0x4e: {  	[bflag:$0x3] =	sbarrier.arrive $0xFFFF  }
0x4f: {  	_ =	shalt  }

</sc_bundles>
